<compile_context>
chip_gen: v7x
topology: tpu7x:2x2x1
jax: 0.10.2.dev20260603
libtpu: 0.0.44.dev20260713+nightly
codegen_flags: <defaults>
</compile_context>

<pallas_src>
import functools

import jax
import jax.numpy as jnp
from jax import lax
from jax.experimental import pallas as pl
from jax.experimental.pallas import tpu as pltpu
from jax.experimental.pallas import tpu_sc as plsc

NC = 2
NS = 16
NW = NC * NS

B = 4096
V = 8192
C = 32
H = 16
W = 16
F = C * H * W

CK = 4
BPW = B // NW
G = BPW // CK
G2 = G // 2

TT = 1024
TC_BLK = TT // (H * W)

TTF = 2048
TTV = 1024
TCF_BLK = TTF // (H * W)


def _tp_in_body(x_ref, o_ref):
    x = x_ref[...].reshape(TTF, TTV)
    o_ref[...] = x.T


def _tp_table(code_fm):
    return pl.pallas_call(
        _tp_in_body,
        grid=(F // TTF, V // TTV),
        in_specs=[pl.BlockSpec((TCF_BLK, H, W, TTV), lambda i, j: (i, 0, 0, j))],
        out_specs=pl.BlockSpec((TTV, TTF), lambda i, j: (j, i)),
        out_shape=jax.ShapeDtypeStruct((V, F), jnp.float32),
    )(code_fm)


TTB = 2048


def _tp_out_body(x_ref, o_ref):
    x = x_ref[...]
    o_ref[...] = x.T.reshape(TC_BLK, H, W, TTB)


def _tp_out(out_rm):
    return pl.pallas_call(
        _tp_out_body,
        grid=(F // TT, B // TTB),
        in_specs=[pl.BlockSpec((TTB, TT), lambda i, j: (j, i))],
        out_specs=pl.BlockSpec((TC_BLK, H, W, TTB), lambda i, j: (i, 0, 0, j)),
        out_shape=jax.ShapeDtypeStruct((C, H, W, B), jnp.float32),
    )(out_rm)


def _gather_body(idx_hbm, table_hbm, out_hbm,
                 idx_v, buf0, buf1, sg0, sg1, ss0, ss1):
    wid = lax.axis_index("s") * NC + lax.axis_index("c")
    base = wid * BPW
    pltpu.sync_copy(idx_hbm.at[wid], idx_v)

    def gather(g, buf, sem):
        return pltpu.make_async_copy(table_hbm.at[idx_v.at[g]], buf, sem)

    def store(g, buf, sem):
        return pltpu.make_async_copy(
            buf, out_hbm.at[pl.ds(base + g * CK, CK)], sem)

    gather(0, buf0, sg0).start()

    def body(p, carry):
        g0 = 2 * p
        g1 = g0 + 1

        @pl.when(p > 0)
        def _():
            store(g1 - 2, buf1, ss1).wait()

        gather(g1, buf1, sg1).start()
        gather(g0, buf0, sg0).wait()
        store(g0, buf0, ss0).start()

        @pl.when(p < G2 - 1)
        def _():
            store(g0, buf0, ss0).wait()
            gather(g0 + 2, buf0, sg0).start()

        gather(g1, buf1, sg1).wait()
        store(g1, buf1, ss1).start()
        return carry

    lax.fori_loop(0, G2, body, 0, unroll=False)
    store(G - 2, buf0, ss0).wait()
    store(G - 1, buf1, ss1).wait()


def _gather(idx3, table):
    mesh = plsc.VectorSubcoreMesh(
        core_axis_name="c", subcore_axis_name="s", num_cores=NC, num_subcores=NS
    )
    return pl.kernel(
        _gather_body,
        out_type=jax.ShapeDtypeStruct((B, F), jnp.float32),
        mesh=mesh,
        scratch_types=[
            pltpu.VMEM((G, CK), jnp.int32),
            pltpu.VMEM((CK, F), jnp.float32),
            pltpu.VMEM((CK, F), jnp.float32),
            pltpu.SemaphoreType.DMA,
            pltpu.SemaphoreType.DMA,
            pltpu.SemaphoreType.DMA,
            pltpu.SemaphoreType.DMA,
        ],
    )(idx3, table)


@jax.jit
def _run(idx, code):
    idx3 = idx.astype(jnp.int32).reshape(NW, G, CK)
    code_fm = code.transpose(1, 2, 3, 0)
    table_rm = _tp_table(code_fm)
    out_rm = _gather(idx3, table_rm)
    out_fm = _tp_out(out_rm)
    return out_fm.transpose(3, 0, 1, 2)


def kernel(idx, code):
    return _run(idx, code)

# --- scband reference (transcript-rebuilt; emitter-appended) ---
"""Pipeline reference for scband-embedding-49898930045580 (READ-ONLY COPY).

The authoritative reference and input builder live on the scoring server;
editing this copy changes nothing except your own understanding.
"""

import jax, jax.numpy as jnp
import numpy as np

NUM_EMBEDDINGS = 8192
C = 32
H = 16
W = 16
B = 4096

def setup_inputs(seed: int = 0) -> dict:
    key = jax.random.key(seed)
    k1, k2 = jax.random.split(key)
    idx = jax.random.randint(k1, (B,), 0, NUM_EMBEDDINGS)
    # original module initializes code = randn * 0.0 (i.e., zeros), kept faithful
    code = jax.random.normal(k2, (NUM_EMBEDDINGS, C, H, W), dtype=jnp.float32) * 0.0
    return {"idx": idx, "code": code}

def reference(idx, code):
    selected = jnp.take(code, idx, axis=0)
    return selected.reshape(-1, C, H, W)

if __name__ == "__main__":
    import jax
    _d = setup_inputs()
    print(jax.jit(kernel)(*tuple(_d.values())))

</pallas_src>

<mosaic_0001>
#map = affine_map<(d0, d1) -> (0, 0, 0)>
#map1 = affine_map<(d0, d1) -> (0, 0)>
module attributes {stable_mosaic.version = 14 : i64} {
  func.func @_gather_body(%arg0: i32, %arg1: i32, %arg2: memref<32x32x4xi32, #tpu.memory_space<hbm>>, %arg3: memref<8192x8192xf32, #tpu.memory_space<hbm>>, %arg4: memref<4096x8192xf32, #tpu.memory_space<hbm>>, %arg5: memref<32x4xi32, #tpu.memory_space<vmem>>, %arg6: memref<4x8192xf32, #tpu.memory_space<vmem>>, %arg7: memref<4x8192xf32, #tpu.memory_space<vmem>>, %arg8: memref<!tpu.dma_semaphore, #tpu.memory_space<semaphore_mem>>, %arg9: memref<!tpu.dma_semaphore, #tpu.memory_space<semaphore_mem>>, %arg10: memref<!tpu.dma_semaphore, #tpu.memory_space<semaphore_mem>>, %arg11: memref<!tpu.dma_semaphore, #tpu.memory_space<semaphore_mem>>) attributes {dimension_semantics = [#tpu.dimension_semantics<core_parallel>, #tpu.dimension_semantics<subcore_parallel>], iteration_bounds = array<i64: 2, 16>, scalar_prefetch = 0 : i64, scratch_operands = 7 : i64, tpu.core_type = #tpu.core_type<sc_vector_subcore>, window_params = [{transform_indices = #map}, {transform_indices = #map1}, {transform_indices = #map1}]} {
    %mul3A = arith.constant 2 : i32
    %mul3A_0 = arith.muli %arg1, %mul3A : i32
    %add3A = arith.addi %mul3A_0, %arg0 : i32
    %mul3A_1 = arith.constant 128 : i32
    %mul3A_2 = arith.muli %add3A, %mul3A_1 : i32
    "tpu.region"() ({
      %run_scoped3A = tpu.sem_alloc : memref<!tpu.dma_semaphore, #tpu.memory_space<semaphore_mem>>
      %dma_start3A_25 = arith.constant 0 : i32
      %dma_start3A_26 = arith.constant 0 : i32
      %dma_start3A_27 = tpu.memref_slice %arg2[%add3A, %dma_start3A_25, %dma_start3A_26] : memref<32x32x4xi32, #tpu.memory_space<hbm>> -> memref<1x32x4xi32, #tpu.memory_space<hbm>>
      %dma_start3A_28 = tpu.memref_squeeze %dma_start3A_27 : memref<1x32x4xi32, #tpu.memory_space<hbm>> -> memref<32x4xi32, #tpu.memory_space<hbm>>
      %dma_start3A_29 = arith.constant 0 : i32
      %dma_start3A_30 = arith.constant 0 : i32
      %dma_start3A_31 = tpu.memref_slice %arg2[%add3A, %dma_start3A_29, %dma_start3A_30] : memref<32x32x4xi32, #tpu.memory_space<hbm>> -> memref<1x32x4xi32, #tpu.memory_space<hbm>>
      %dma_start3A_32 = tpu.memref_squeeze %dma_start3A_31 : memref<1x32x4xi32, #tpu.memory_space<hbm>> -> memref<32x4xi32, #tpu.memory_space<hbm>>
      tpu.enqueue_dma source(%dma_start3A_32 : memref<32x4xi32, #tpu.memory_space<hbm>>) target(%arg5 : memref<32x4xi32, #tpu.memory_space<vmem>>) target_semaphore(%run_scoped3A : memref<!tpu.dma_semaphore, #tpu.memory_space<semaphore_mem>>)
      %dma_wait3A_33 = arith.constant 0 : i32
      %dma_wait3A_34 = arith.constant 0 : i32
      %dma_wait3A_35 = tpu.memref_slice %arg2[%add3A, %dma_wait3A_33, %dma_wait3A_34] : memref<32x32x4xi32, #tpu.memory_space<hbm>> -> memref<1x32x4xi32, #tpu.memory_space<hbm>>
      %dma_wait3A_36 = tpu.memref_squeeze %dma_wait3A_35 : memref<1x32x4xi32, #tpu.memory_space<hbm>> -> memref<32x4xi32, #tpu.memory_space<hbm>>
      %dma_wait3A_37 = arith.constant 0 : i32
      %dma_wait3A_38 = arith.constant 0 : i32
      %dma_wait3A_39 = tpu.memref_slice %arg2[%add3A, %dma_wait3A_37, %dma_wait3A_38] : memref<32x32x4xi32, #tpu.memory_space<hbm>> -> memref<1x32x4xi32, #tpu.memory_space<hbm>>
      %dma_wait3A_40 = tpu.memref_squeeze %dma_wait3A_39 : memref<1x32x4xi32, #tpu.memory_space<hbm>> -> memref<32x4xi32, #tpu.memory_space<hbm>>
      tpu.wait_dma2 semaphore(%run_scoped3A : memref<!tpu.dma_semaphore, #tpu.memory_space<semaphore_mem>>) src(%dma_wait3A_40 : memref<32x4xi32, #tpu.memory_space<hbm>>) dst(%arg5 : memref<32x4xi32, #tpu.memory_space<vmem>>)
      tpu.yield
    }) : () -> ()
    %dma_start3A = arith.constant 0 : i32
    %dma_start3A_3 = arith.constant 0 : i32
    %dma_start3A_4 = tpu.memref_slice %arg5[%dma_start3A, %dma_start3A_3] : memref<32x4xi32, #tpu.memory_space<vmem>> -> memref<1x4xi32, #tpu.memory_space<vmem>>
    %dma_start3A_5 = tpu.memref_squeeze %dma_start3A_4 : memref<1x4xi32, #tpu.memory_space<vmem>> -> memref<4xi32, #tpu.memory_space<vmem>>
    %dma_start3A_6 = arith.constant 0 : i32
    %dma_start3A_7 = arith.constant 0 : i32
    %dma_start3A_8 = tpu.memref_slice %arg3[%dma_start3A_6, %dma_start3A_7] : memref<8192x8192xf32, #tpu.memory_space<hbm>> -> memref<8192x8192xf32, #tpu.memory_space<hbm>>
    tpu.enqueue_indirect_dma source(%dma_start3A_8 : memref<8192x8192xf32, #tpu.memory_space<hbm>>) target(%arg6 : memref<4x8192xf32, #tpu.memory_space<vmem>>) offsets(%dma_start3A_5 : memref<4xi32, #tpu.memory_space<vmem>>) semaphore(%arg8 : memref<!tpu.dma_semaphore, #tpu.memory_space<semaphore_mem>>)
    %scan3A = arith.constant 0 : i32
    %scan3A_9 = arith.constant 0 : i32
    %scan3A_10 = arith.constant 16 : i32
    %scan3A_11 = arith.addi %scan3A_9, %scan3A_10 : i32
    %scan3A_12 = arith.constant 1 : i32
    scf.for %scan3A_25 = %scan3A_9 to %scan3A_11 step %scan3A_12  : i32 {
      %mul3A_26 = arith.constant 2 : i32
      %mul3A_27 = arith.muli %mul3A_26, %scan3A_25 : i32
      %add3A_28 = arith.constant 1 : i32
      %add3A_29 = arith.addi %mul3A_27, %add3A_28 : i32
      %gt3A = arith.constant 0 : i32
      %gt3A_30 = arith.cmpi sgt, %scan3A_25, %gt3A : i32
      %convert_element_type3A = arith.extui %gt3A_30 : i1 to i32
      %cond3A = arith.constant 0 : i32
      %cond3A_31 = arith.cmpi ne, %convert_element_type3A, %cond3A : i32
      scf.if %cond3A_31 {
        %sub3A = arith.constant 2 : i32
        %sub3A_68 = arith.subi %add3A_29, %sub3A : i32
        %mul3A_69 = arith.constant 4 : i32
        %mul3A_70 = arith.muli %sub3A_68, %mul3A_69 : i32
        %add3A_71 = arith.addi %mul3A_2, %mul3A_70 : i32
        %dma_wait3A_72 = arith.constant 0 : i32
        %dma_wait3A_73 = tpu.memref_slice %arg4[%add3A_71, %dma_wait3A_72] : memref<4096x8192xf32, #tpu.memory_space<hbm>> -> memref<4x8192xf32, #tpu.memory_space<hbm>>
        %dma_wait3A_74 = arith.constant 0 : i32
        %dma_wait3A_75 = tpu.memref_slice %arg4[%add3A_71, %dma_wait3A_74] : memref<4096x8192xf32, #tpu.memory_space<hbm>> -> memref<4x8192xf32, #tpu.memory_space<hbm>>
        tpu.wait_dma2 semaphore(%arg11 : memref<!tpu.dma_semaphore, #tpu.memory_space<semaphore_mem>>) src(%arg7 : memref<4x8192xf32, #tpu.memory_space<vmem>>) dst(%dma_wait3A_75 : memref<4x8192xf32, #tpu.memory_space<hbm>>)
      } else {
      }
      %dma_start3A_32 = arith.constant 0 : i32
      %dma_start3A_33 = tpu.memref_slice %arg5[%add3A_29, %dma_start3A_32] : memref<32x4xi32, #tpu.memory_space<vmem>> -> memref<1x4xi32, #tpu.memory_space<vmem>>
      %dma_start3A_34 = tpu.memref_squeeze %dma_start3A_33 : memref<1x4xi32, #tpu.memory_space<vmem>> -> memref<4xi32, #tpu.memory_space<vmem>>
      %dma_start3A_35 = arith.constant 0 : i32
      %dma_start3A_36 = arith.constant 0 : i32
      %dma_start3A_37 = tpu.memref_slice %arg3[%dma_start3A_35, %dma_start3A_36] : memref<8192x8192xf32, #tpu.memory_space<hbm>> -> memref<8192x8192xf32, #tpu.memory_space<hbm>>
      tpu.enqueue_indirect_dma source(%dma_start3A_37 : memref<8192x8192xf32, #tpu.memory_space<hbm>>) target(%arg7 : memref<4x8192xf32, #tpu.memory_space<vmem>>) offsets(%dma_start3A_34 : memref<4xi32, #tpu.memory_space<vmem>>) semaphore(%arg9 : memref<!tpu.dma_semaphore, #tpu.memory_space<semaphore_mem>>)
      %dma_wait3A_38 = arith.constant 0 : i32
      %dma_wait3A_39 = tpu.memref_slice %arg5[%mul3A_27, %dma_wait3A_38] : memref<32x4xi32, #tpu.memory_space<vmem>> -> memref<1x4xi32, #tpu.memory_space<vmem>>
      %dma_wait3A_40 = tpu.memref_squeeze %dma_wait3A_39 : memref<1x4xi32, #tpu.memory_space<vmem>> -> memref<4xi32, #tpu.memory_space<vmem>>
      %dma_wait3A_41 = arith.constant 0 : i32
      %dma_wait3A_42 = arith.constant 0 : i32
      %dma_wait3A_43 = tpu.memref_slice %arg3[%dma_wait3A_41, %dma_wait3A_42] : memref<8192x8192xf32, #tpu.memory_space<hbm>> -> memref<8192x8192xf32, #tpu.memory_space<hbm>>
      tpu.wait_indirect_dma semaphore(%arg8 : memref<!tpu.dma_semaphore, #tpu.memory_space<semaphore_mem>>) src(%dma_wait3A_43 : memref<8192x8192xf32, #tpu.memory_space<hbm>>) dst(%arg6 : memref<4x8192xf32, #tpu.memory_space<vmem>>)
      %mul3A_44 = arith.constant 4 : i32
      %mul3A_45 = arith.muli %mul3A_27, %mul3A_44 : i32
      %add3A_46 = arith.addi %mul3A_2, %mul3A_45 : i32
      %dma_start3A_47 = arith.constant 0 : i32
      %dma_start3A_48 = tpu.memref_slice %arg4[%add3A_46, %dma_start3A_47] : memref<4096x8192xf32, #tpu.memory_space<hbm>> -> memref<4x8192xf32, #tpu.memory_space<hbm>>
      %dma_start3A_49 = arith.constant 0 : i32
      %dma_start3A_50 = tpu.memref_slice %arg4[%add3A_46, %dma_start3A_49] : memref<4096x8192xf32, #tpu.memory_space<hbm>> -> memref<4x8192xf32, #tpu.memory_space<hbm>>
      tpu.enqueue_dma source(%arg6 : memref<4x8192xf32, #tpu.memory_space<vmem>>) target(%dma_start3A_50 : memref<4x8192xf32, #tpu.memory_space<hbm>>) target_semaphore(%arg10 : memref<!tpu.dma_semaphore, #tpu.memory_space<semaphore_mem>>)
      %lt3A = arith.constant 15 : i32
      %lt3A_51 = arith.cmpi slt, %scan3A_25, %lt3A : i32
      %convert_element_type3A_52 = arith.extui %lt3A_51 : i1 to i32
      %cond3A_53 = arith.constant 0 : i32
      %cond3A_54 = arith.cmpi ne, %convert_element_type3A_52, %cond3A_53 : i32
      scf.if %cond3A_54 {
        %mul3A_68 = arith.constant 4 : i32
        %mul3A_69 = arith.muli %mul3A_27, %mul3A_68 : i32
        %add3A_70 = arith.addi %mul3A_2, %mul3A_69 : i32
        %dma_wait3A_71 = arith.constant 0 : i32
        %dma_wait3A_72 = tpu.memref_slice %arg4[%add3A_70, %dma_wait3A_71] : memref<4096x8192xf32, #tpu.memory_space<hbm>> -> memref<4x8192xf32, #tpu.memory_space<hbm>>
        %dma_wait3A_73 = arith.constant 0 : i32
        %dma_wait3A_74 = tpu.memref_slice %arg4[%add3A_70, %dma_wait3A_73] : memref<4096x8192xf32, #tpu.memory_space<hbm>> -> memref<4x8192xf32, #tpu.memory_space<hbm>>
        tpu.wait_dma2 semaphore(%arg10 : memref<!tpu.dma_semaphore, #tpu.memory_space<semaphore_mem>>) src(%arg6 : memref<4x8192xf32, #tpu.memory_space<vmem>>) dst(%dma_wait3A_74 : memref<4x8192xf32, #tpu.memory_space<hbm>>)
        %add3A_75 = arith.constant 2 : i32
        %add3A_76 = arith.addi %mul3A_27, %add3A_75 : i32
        %dma_start3A_77 = arith.constant 0 : i32
        %dma_start3A_78 = tpu.memref_slice %arg5[%add3A_76, %dma_start3A_77] : memref<32x4xi32, #tpu.memory_space<vmem>> -> memref<1x4xi32, #tpu.memory_space<vmem>>
        %dma_start3A_79 = tpu.memref_squeeze %dma_start3A_78 : memref<1x4xi32, #tpu.memory_space<vmem>> -> memref<4xi32, #tpu.memory_space<vmem>>
        %dma_start3A_80 = arith.constant 0 : i32
        %dma_start3A_81 = arith.constant 0 : i32
        %dma_start3A_82 = tpu.memref_slice %arg3[%dma_start3A_80, %dma_start3A_81] : memref<8192x8192xf32, #tpu.memory_space<hbm>> -> memref<8192x8192xf32, #tpu.memory_space<hbm>>
        tpu.enqueue_indirect_dma source(%dma_start3A_82 : memref<8192x8192xf32, #tpu.memory_space<hbm>>) target(%arg6 : memref<4x8192xf32, #tpu.memory_space<vmem>>) offsets(%dma_start3A_79 : memref<4xi32, #tpu.memory_space<vmem>>) semaphore(%arg8 : memref<!tpu.dma_semaphore, #tpu.memory_space<semaphore_mem>>)
      } else {
      }
      %dma_wait3A_55 = arith.constant 0 : i32
      %dma_wait3A_56 = tpu.memref_slice %arg5[%add3A_29, %dma_wait3A_55] : memref<32x4xi32, #tpu.memory_space<vmem>> -> memref<1x4xi32, #tpu.memory_space<vmem>>
      %dma_wait3A_57 = tpu.memref_squeeze %dma_wait3A_56 : memref<1x4xi32, #tpu.memory_space<vmem>> -> memref<4xi32, #tpu.memory_space<vmem>>
      %dma_wait3A_58 = arith.constant 0 : i32
      %dma_wait3A_59 = arith.constant 0 : i32
      %dma_wait3A_60 = tpu.memref_slice %arg3[%dma_wait3A_58, %dma_wait3A_59] : memref<8192x8192xf32, #tpu.memory_space<hbm>> -> memref<8192x8192xf32, #tpu.memory_space<hbm>>
      tpu.wait_indirect_dma semaphore(%arg9 : memref<!tpu.dma_semaphore, #tpu.memory_space<semaphore_mem>>) src(%dma_wait3A_60 : memref<8192x8192xf32, #tpu.memory_space<hbm>>) dst(%arg7 : memref<4x8192xf32, #tpu.memory_space<vmem>>)
      %mul3A_61 = arith.constant 4 : i32
      %mul3A_62 = arith.muli %add3A_29, %mul3A_61 : i32
      %add3A_63 = arith.addi %mul3A_2, %mul3A_62 : i32
      %dma_start3A_64 = arith.constant 0 : i32
      %dma_start3A_65 = tpu.memref_slice %arg4[%add3A_63, %dma_start3A_64] : memref<4096x8192xf32, #tpu.memory_space<hbm>> -> memref<4x8192xf32, #tpu.memory_space<hbm>>
      %dma_start3A_66 = arith.constant 0 : i32
      %dma_start3A_67 = tpu.memref_slice %arg4[%add3A_63, %dma_start3A_66] : memref<4096x8192xf32, #tpu.memory_space<hbm>> -> memref<4x8192xf32, #tpu.memory_space<hbm>>
      tpu.enqueue_dma source(%arg7 : memref<4x8192xf32, #tpu.memory_space<vmem>>) target(%dma_start3A_67 : memref<4x8192xf32, #tpu.memory_space<hbm>>) target_semaphore(%arg11 : memref<!tpu.dma_semaphore, #tpu.memory_space<semaphore_mem>>)
    }
    %scan3A_13 = arith.constant 16 : i32
    %add3A_14 = arith.constant 120 : i32
    %add3A_15 = arith.addi %mul3A_2, %add3A_14 : i32
    %dma_wait3A = arith.constant 0 : i32
    %dma_wait3A_16 = tpu.memref_slice %arg4[%add3A_15, %dma_wait3A] : memref<4096x8192xf32, #tpu.memory_space<hbm>> -> memref<4x8192xf32, #tpu.memory_space<hbm>>
    %dma_wait3A_17 = arith.constant 0 : i32
    %dma_wait3A_18 = tpu.memref_slice %arg4[%add3A_15, %dma_wait3A_17] : memref<4096x8192xf32, #tpu.memory_space<hbm>> -> memref<4x8192xf32, #tpu.memory_space<hbm>>
    tpu.wait_dma2 semaphore(%arg10 : memref<!tpu.dma_semaphore, #tpu.memory_space<semaphore_mem>>) src(%arg6 : memref<4x8192xf32, #tpu.memory_space<vmem>>) dst(%dma_wait3A_18 : memref<4x8192xf32, #tpu.memory_space<hbm>>)
    %add3A_19 = arith.constant 124 : i32
    %add3A_20 = arith.addi %mul3A_2, %add3A_19 : i32
    %dma_wait3A_21 = arith.constant 0 : i32
    %dma_wait3A_22 = tpu.memref_slice %arg4[%add3A_20, %dma_wait3A_21] : memref<4096x8192xf32, #tpu.memory_space<hbm>> -> memref<4x8192xf32, #tpu.memory_space<hbm>>
    %dma_wait3A_23 = arith.constant 0 : i32
    %dma_wait3A_24 = tpu.memref_slice %arg4[%add3A_20, %dma_wait3A_23] : memref<4096x8192xf32, #tpu.memory_space<hbm>> -> memref<4x8192xf32, #tpu.memory_space<hbm>>
    tpu.wait_dma2 semaphore(%arg11 : memref<!tpu.dma_semaphore, #tpu.memory_space<semaphore_mem>>) src(%arg7 : memref<4x8192xf32, #tpu.memory_space<vmem>>) dst(%dma_wait3A_24 : memref<4x8192xf32, #tpu.memory_space<hbm>>)
    return
  }
}

module attributes {stable_mosaic.version = 14 : i64} {
  func.func @_tp_in_body(%arg0: i32, %arg1: i32, %arg2: memref<8x16x16x1024xf32, #tpu.memory_space<vmem>>, %arg3: memref<1024x2048xf32, #tpu.memory_space<vmem>>) attributes {dimension_semantics = [#tpu.dimension_semantics<arbitrary>, #tpu.dimension_semantics<arbitrary>], iteration_bounds = array<i64: 4, 8>, scalar_prefetch = 0 : i64, scratch_operands = 0 : i64, tpu.core_type = #tpu.core_type<tc>, window_params = [{transform_indices = @transform_0, window_bounds = array<i64: 8, 16, 16, 1024>}, {transform_indices = @transform_1, window_bounds = array<i64: 1024, 2048>}]} {
    %get3A = arith.constant 0 : index
    %get3A_0 = arith.constant 0 : index
    %get3A_1 = arith.constant 0 : index
    %get3A_2 = arith.constant 0 : index
    %get3A_3 = vector.load %arg2[%get3A, %get3A_0, %get3A_1, %get3A_2] : memref<8x16x16x1024xf32, #tpu.memory_space<vmem>>, vector<8x16x16x1024xf32>
    %reshape3A = vector.shape_cast %get3A_3 : vector<8x16x16x1024xf32> to vector<2048x1024xf32>
    %transpose3A = tpu.transpose %reshape3A, [1, 0] : vector<2048x1024xf32> -> vector<1024x2048xf32>
    %swap3A = arith.constant 0 : index
    %swap3A_4 = arith.constant 0 : index
    %swap3A_5 = vector.load %arg3[%swap3A, %swap3A_4] : memref<1024x2048xf32, #tpu.memory_space<vmem>>, vector<1024x2048xf32>
    tpu.vector_store %arg3[%swap3A, %swap3A_4], %transpose3A {strides = array<i32>} : memref<1024x2048xf32, #tpu.memory_space<vmem>>, vector<1024x2048xf32>,
    return
  }
  func.func @transform_0(%arg0: i32, %arg1: i32) -> (i32, i32, i32, i32) {
    %c0_i32 = arith.constant 0 : i32
    %c0_i32_0 = arith.constant 0 : i32
    %c0_i32_1 = arith.constant 0 : i32
    return %arg0, %c0_i32, %c0_i32_0, %arg1 : i32, i32, i32, i32
  }
  func.func @transform_1(%arg0: i32, %arg1: i32) -> (i32, i32) {
    %c0_i32 = arith.constant 0 : i32
    return %arg1, %arg0 : i32, i32
  }
}

module attributes {stable_mosaic.version = 14 : i64} {
  func.func @_tp_out_body(%arg0: i32, %arg1: i32, %arg2: memref<2048x1024xf32, #tpu.memory_space<vmem>>, %arg3: memref<4x16x16x2048xf32, #tpu.memory_space<vmem>>) attributes {dimension_semantics = [#tpu.dimension_semantics<arbitrary>, #tpu.dimension_semantics<arbitrary>], iteration_bounds = array<i64: 8, 2>, scalar_prefetch = 0 : i64, scratch_operands = 0 : i64, tpu.core_type = #tpu.core_type<tc>, window_params = [{transform_indices = @transform_0, window_bounds = array<i64: 2048, 1024>}, {transform_indices = @transform_1, window_bounds = array<i64: 4, 16, 16, 2048>}]} {
    %get3A = arith.constant 0 : index
    %get3A_0 = arith.constant 0 : index
    %get3A_1 = vector.load %arg2[%get3A, %get3A_0] : memref<2048x1024xf32, #tpu.memory_space<vmem>>, vector<2048x1024xf32>
    %transpose3A = tpu.transpose %get3A_1, [1, 0] : vector<2048x1024xf32> -> vector<1024x2048xf32>
    %reshape3A = vector.shape_cast %transpose3A : vector<1024x2048xf32> to vector<4x16x16x2048xf32>
    %swap3A = arith.constant 0 : index
    %swap3A_2 = arith.constant 0 : index
    %swap3A_3 = arith.constant 0 : index
    %swap3A_4 = arith.constant 0 : index
    %swap3A_5 = vector.load %arg3[%swap3A, %swap3A_2, %swap3A_3, %swap3A_4] : memref<4x16x16x2048xf32, #tpu.memory_space<vmem>>, vector<4x16x16x2048xf32>
    tpu.vector_store %arg3[%swap3A, %swap3A_2, %swap3A_3, %swap3A_4], %reshape3A {strides = array<i32>} : memref<4x16x16x2048xf32, #tpu.memory_space<vmem>>, vector<4x16x16x2048xf32>,
    return
  }
  func.func @transform_0(%arg0: i32, %arg1: i32) -> (i32, i32) {
    %c0_i32 = arith.constant 0 : i32
    return %arg1, %arg0 : i32, i32
  }
  func.func @transform_1(%arg0: i32, %arg1: i32) -> (i32, i32, i32, i32) {
    %c0_i32 = arith.constant 0 : i32
    %c0_i32_0 = arith.constant 0 : i32
    %c0_i32_1 = arith.constant 0 : i32
    return %arg0, %c0_i32, %c0_i32_0, %arg1 : i32, i32, i32, i32
  }
}

</mosaic_0001>

<sc_bundles>
// kernel: _run.5.cloned.1.call-start
scs
__scs_entry_jumppad:
0x0: {  	(pc) =	sbr.rel $0x88, $3  }
0x1: {  	(tag) =	ssettag $0x0;
	lr =	simm.s32 $0x1  }
0x2: {  	[smem:$0x3F9F] =	sst lr;
	_ =	strace $0xD0000000  }
0x3: {  	_ = 	snop  }
0x4: {  	_ = 	snop  }
0x5: {  	_ = 	snop  }
0x6: {  	_ = 	snop  }
0x7: {  	_ = 	snop  }
__scs_overlays_trampoline_lowered:
0x8: {  	[smem:$0x3FAE] =	sst s0  }
0x9: {  	[smem:$0x3FAF] =	sst s1  }
0xa: {  	[smem:$0x3FB0] =	sst s2  }
0xb: {  	[smem:$0x3FB1] =	sst s3  }
0xc: {  	[smem:$0x3FB2] =	sst s4  }
0xd: {  	[smem:$0x3FB3] =	sst s5  }
0xe: {  	[smem:$0x3FB4] =	sst s6  }
0xf: {  	[smem:$0x3FB5] =	sst s7  }
0x10: {  	[smem:$0x3FB6] =	sst s8  }
0x11: {  	[smem:$0x3FB7] =	sst s9;
	s0 =	simm.s32 @!p0 $0x0  }
0x12: {  	s1 =	sld [smem:$0x3F9D];
	s0 =	simm.s32 @p0 $0x1  }
0x13: {  	[smem:$0x3FB8] =	sst s0;
	s0 =	simm.s32 @!p1 $0x0  }
0x14: {  	s2 =	sld [smem:$0x3F9C];
	s0 =	simm.s32 @p1 $0x1  }
0x15: {  	[smem:$0x3FB9] =	sst s0;
	s0 =	simm.s32 @!p2 $0x0  }
0x16: {  	s3 =	sld [smem:$0x3FDB];
	s0 =	simm.s32 @p2 $0x1  }
0x17: {  	s4 =	simm.s32 $0x1BF5;
	[smem:$0x3FBB] =	sst s0  }
0x18: {  	s0 =	sld [smem:$0x3F9E];
	_ =	swait.ge [sflag:s4], $0x0  }
0x19: {  	s7 =	sld [smem:$0x3F9F]  }
0x1a: {  	s8 =	sadd.s32 $0xFFFFE003, lr  }
0x1b: {  	s9 =	sadd.s32 $0xFFFFFEF7, lr;
	s5 =	simm.s32 $0xFFFFFFFF;
	p2 =	slt.u32 s8, $0xFFFFF086  }
0x1c: {  	p1 =	slt.u32 s9, $0xF7A;
	s5 =	simm.s32 @!p2 $0x0  }
0x1d: {  	s5 =	simm.s32 @p1 $0x1;
	p0 =	seq.s32 s7, s2  }
0x1e: {  	s7 =	smul.u32 @!p0 $0xF7A, s2;
	p2 =	seq.s32 @!p0 s5, $0x0  }
0x1f: {  	s9 =	smul.u32 $0xF7A, s1;
	s8 =	simm.s32 @!p0 $0x1BF5;
	p2 =	por !p2, p0  }
0x20: {  	[sflag:s8] =	ssyncset.s32 @!p0 $0xFFFFF086;
	s6 =	sadd.s32 @!p0 s3, s7;
	s7 =	simm.s32 @!p0 $0x108  }
0x21: {  	s3 =	sadd.s32 s3, s9;
	s6 =	sadd.s32 @!p0 $0x88, s6;
	s7 =	simm.s32 @p2 $0x1082  }
0x22: {  	[simem:s7], [sflag:s8] =	dma.local @!p0 [hbm:s6], $0xF7A  }
0x23: {  	s9 =	sor.u32 $0xD0000000, s2;
	s6 =	simm.s32 $0x108;
	_ =	swait.ge @!p0 [sflag:s8], $0x0  }
0x24: {  	s3 =	sadd.s32 $0x88, s3;
	s6 =	simm.s32 @!p1 $0x1082;
	[sflag:s4] =	ssyncset.s32 $0xFFFFF086  }
0x25: {  	[simem:s6], [sflag:s4] =	dma.local [hbm:s3], $0xF7A  }
0x26: {  	[smem:$0x3F9F] =	sst s1;
	(tag) =	ssettag s2;
	_ =	strace s9  }
0x27: {  	s1 =	sld [smem:$0x3FAF]  }
0x28: {  	s2 =	sld [smem:$0x3FB0]  }
0x29: {  	s4 =	sld [smem:$0x3FB2]  }
0x2a: {  	p0 =	seq.s32 s5, $0x0;
	s5 =	sld [smem:$0x3FB3]  }
0x2b: {  	s6 =	sld [smem:$0x3FB4]  }
0x2c: {  	s7 =	sld [smem:$0x3FB5]  }
0x2d: {  	s3 =	simm.s32 $0x108;
	s8 =	sld [smem:$0x3FB6]  }
0x2e: {  	s3 =	simm.s32 @!p0 $0x1082;
	s9 =	sld [smem:$0x3FB7]  }
0x2f: {  	lr =	sadd.s32 s0, s3;
	s0 =	sld [smem:$0x3FAE]  }
0x30: {  	s3 =	sld [smem:$0x3FB1]  }
0x31: {  	[smem:$0x3FBA] =	sst s10  }
0x32: {  	s10 =	sld [smem:$0x3FB8];
	_ =	sdelay $0x3  }
0x33: {  	p0 =	seq.s32 s10, $0x1;
	s10 =	sld [smem:$0x3FBA];
	_ =	sdelay $0x3  }
0x34: {  	[smem:$0x3FBA] =	sst s10  }
0x35: {  	s10 =	sld [smem:$0x3FB9];
	_ =	sdelay $0x3  }
0x36: {  	p1 =	seq.s32 s10, $0x1;
	s10 =	sld [smem:$0x3FBA];
	_ =	sdelay $0x3  }
0x37: {  	[smem:$0x3FBA] =	sst s10  }
0x38: {  	s10 =	sld [smem:$0x3FBB]  }
0x39: {  	_ = 	snop;
	(pc) =	sbr.ind lr, $3  }
0x3a: {  	_ = 	snop  }
0x3b: {  	_ = 	snop  }
0x3c: {  	p2 =	seq.s32 s10, $0x1;
	s10 =	sld [smem:$0x3FBA]  }
0x3d: {  	_ =	shalt  }
0x3e: {  	_ =	shalt  }
0x3f: {  	_ =	shalt  }
0x40: {  	_ =	shalt  }
0x41: {  	_ =	shalt  }
0x42: {  	_ =	shalt  }
0x43: {  	_ =	shalt  }
0x44: {  	_ =	shalt  }
0x45: {  	_ =	shalt  }
0x46: {  	_ =	shalt  }
0x47: {  	_ =	shalt  }
0x48: {  	_ =	shalt  }
0x49: {  	_ =	shalt  }
0x4a: {  	_ =	shalt  }
0x4b: {  	_ =	shalt  }
0x4c: {  	_ =	shalt  }
0x4d: {  	_ =	shalt  }
0x4e: {  	_ =	shalt  }
0x4f: {  	_ =	shalt  }
0x50: {  	_ =	shalt  }
0x51: {  	_ =	shalt  }
0x52: {  	_ =	shalt  }
0x53: {  	_ =	shalt  }
0x54: {  	_ =	shalt  }
0x55: {  	_ =	shalt  }
0x56: {  	_ =	shalt  }
0x57: {  	_ =	shalt  }
0x58: {  	_ =	shalt  }
0x59: {  	_ =	shalt  }
0x5a: {  	_ =	shalt  }
0x5b: {  	_ =	shalt  }
0x5c: {  	_ =	shalt  }
0x5d: {  	_ =	shalt  }
0x5e: {  	_ =	shalt  }
0x5f: {  	_ =	shalt  }
0x60: {  	_ =	shalt  }
0x61: {  	_ =	shalt  }
0x62: {  	_ =	shalt  }
0x63: {  	_ =	shalt  }
0x64: {  	_ =	shalt  }
0x65: {  	_ =	shalt  }
0x66: {  	_ =	shalt  }
0x67: {  	_ =	shalt  }
0x68: {  	_ =	shalt  }
0x69: {  	_ =	shalt  }
0x6a: {  	_ =	shalt  }
0x6b: {  	_ =	shalt  }
0x6c: {  	_ =	shalt  }
0x6d: {  	_ =	shalt  }
0x6e: {  	_ =	shalt  }
0x6f: {  	_ =	shalt  }
0x70: {  	_ =	shalt  }
0x71: {  	_ =	shalt  }
0x72: {  	_ =	shalt  }
0x73: {  	_ =	shalt  }
0x74: {  	_ =	shalt  }
0x75: {  	_ =	shalt  }
0x76: {  	_ =	shalt  }
0x77: {  	_ =	shalt  }
0x78: {  	_ =	shalt  }
0x79: {  	_ =	shalt  }
0x7a: {  	_ =	shalt  }
0x7b: {  	_ =	shalt  }
0x7c: {  	_ =	shalt  }
0x7d: {  	_ =	shalt  }
0x7e: {  	_ =	shalt  }
0x7f: {  	_ =	shalt  }
0x80: {  	_ =	shalt  }
0x81: {  	_ =	shalt  }
0x82: {  	_ =	shalt  }
0x83: {  	_ =	shalt  }
0x84: {  	_ =	shalt  }
0x85: {  	_ =	shalt  }
0x86: {  	_ =	shalt  }
0x87: {  	_ =	shalt  }
.Lfunc_end0:
.L_simem_size_0:
called_computation_lowered:
.L_overlay_start_0:
0x88: {  	s2 =	sld [smem:$0x3FD9]  }
0x89: {  	s3 =	sld [smem:$0x3FFE];
	_ =	sdelay $0x1  }
0x8a: {  	s1 =	srdreg.scid  }
0x8b: {  	s0 =	sand.u32 $0x1, s1  }
0x8c: {  	s17 =	sshll.u32 s0, $0xA;
	s2 =	sadd.s32 s3, s2  }
0x8d: {  	s2 =	sadd.s32 s2, s17  }
0x8e: {  	[smem:$0x3FC6] =	sst s2  }
0x8f: {  	_ = 	snop  }
0x90: {  	s2 =	sld [smem:$0x3FD0];
	(tm) =	ssettm $0x1  }
0x91: {  	s18 =	sld [smem:$0x3FFB];
	_ =	sdelay $0x3  }
0x92: {  	_ =	strace s18  }
0x93: {  	s3 =	sld [smem:$0x3FFC];
	_ =	sdelay $0x3  }
0x94: {  	_ =	strace s3  }
0x95: {  	s3 =	sld [smem:$0x3FFD];
	_ =	sdelay $0x3  }
0x96: {  	_ =	strace s3  }
0x97: {  	_ =	strace $0x8FFFFFFF  }
0x98: {  	s19 =	sld [smem:$0x3FDB];
	_ =	sdelay $0x1  }
0x99: {  	s4 =	simm.s32 $_scs_section_size  }
0x9a: {  	s5 =	simm.s32 $_size__tile_overlayer_lowered;
	s6 =	simm.s32 $_tile_overlayer_lowered  }
0x9b: {  	s22 =	simm.s32 $0x1BFF;
	s21 =	sshll.u32 s6, $0x1;
	s3 =	sadd.s32 s4, s19  }
0x9c: {  	s7 =	simm.s32 $0x0;
	s20 =	sshll.u32 s5, $0x1;
	s5 =	sadd.s32 s21, s3  }
0x9d: {  	[timem:s7], [sflag:s22] =	dma.local [hbm:s5], s20  }
0x9e: {  	_ =	swait.ge [sflag:s22], s20  }
0x9f: {  	s4 =	ssub.s32 $0x0, s20;
	[sflag:s22] =	ssyncset.done $0x0  }
0xa0: {  	[sflag:s22] =	ssyncadd.s32 s4;
	_ =	sdelay $0x1  }
0xa1: {  	s23 =	simm.s32 $0x1B8B  }
0xa2: {  	_ =	swait.ge [sflag:s23], $0x1  }
0xa3: {  	[sflag:s23] =	ssyncset.done $0x0  }
0xa4: {  	s25 =	simm.s32 $0x1B8E;
	s24 =	sld [smem:$0x3FFE];
	[sflag:s23] =	ssyncadd.s32 $0xFFFFFFFF  }
0xa5: {  	s26 =	simm.s32 $execute0_lowered;
	[smem:$0x3FD2] =	sst s25  }
0xa6: {  	s5 =	sshll.u32 s26, $0x1;
	_ =	strace $0x80000046;
	[dreg:$0x1] =	wrdreg $0xFFFFFFFF  }
0xa7: {  	s28 =	simm.s32 $_size_execute0_lowered;
	s3 =	sadd.s32 s3, s5;
	[dreg:$0x0] =	wrdreg $0x0  }
0xa8: {  	s5 =	sshll.u32 s28, $0x1;
	[dreg:$0x2] =	wrdreg s3  }
0xa9: {  	[dreg:$0x3] =	wrdreg s5  }
0xaa: {  	[dreg:$0x4] =	wrdreg $0xC0  }
0xab: {  	_ =	task [dreg:s7], $0x5FFFF  }
0xac: {  	[dreg:$0x1] =	wrdreg $0xFFFFFFFF  }
0xad: {  	[dreg:$0x0] =	wrdreg $0x60  }
0xae: {  	[dreg:$0x2] =	wrdreg s2  }
0xaf: {  	[dreg:$0x3] =	wrdreg s24  }
0xb0: {  	[dreg:$0x4] =	wrdreg $0x9  }
0xb1: {  	_ =	task.clear_ibuf [dreg:s7], $0x5FFFF;
	_ =	strace $0x90000046  }
0xb2: {  	s29 =	simm.s32 $0x9;
	_ =	strace $0x80000048  }
0xb3: {  	_ =	swait.ge [sflag:s29], $0x1  }
0xb4: {  	[sflag:s29] =	ssyncadd.s32 $0xFFFFFFFF  }
0xb5: {  	_ =	strace $0x90000048  }
0xb6: {  	_ =	sfence  }
0xb7: {  	s30 =	sld [smem:$0x0];
	_ =	sdelay $0x2  }
0xb8: {  	s31 =	sshll.u32 s1, $0xD;
	s1 =	sshrl.u32 s1, $0x2  }
0xb9: {  	s3 =	sand.u32 $0x4000, s31;
	s1 =	sadd.s32 s1, s30  }
0xba: {  	s0 =	sor.u32 s3, s0;
	s1 =	sshll.u32 s1, $0x11  }
0xbb: {  	s0 =	sor.u32 s1, s0  }
0xbc: {  	s0 =	sadd.s32 $0x8F2B, s0  }
0xbd: {  	[sflag:s0] =	ssyncadd.remote.s32 $0x1  }
0xbe: {  	_ =	sfence.sel $0xFFFF  }
0xbf: {  	[dreg:$0x0] =	wrdreg $0xFFFFFFFF;
	(pc) =	sbr.abs _section_cstart, $3  }
0xc0: {  	[dreg:$0x1] =	wrdreg $0xFFFFFFFF  }
0xc1: {  	_ =	task.clear_ibuf [dreg:s7], $0x2FFFF;
	_ =	strace $0x9FFFFFFF  }
0xc2: {  	(tm) =	ssettm $0x7FFFFFFF  }
0xc3: {  	_ =	shalt  }
tec
execute0_lowered:
.L_overlay_start_1:
0x0: {  	(tag) =	ssettag $0x1  }
0x1: {  	s0 =	rddreg [dreg:$0x0]  }
0x2: {  	s1 =	rddreg [dreg:$0x1];
	s2 =	simm.s32 $0x0;
	s8 =	stileid.u32  }
0x3: {  	s3 =	srdreg.scid;
	s11 =	simm.s32 $0x9800;
	s12 =	simm.s32 $0xA000  }
0x4: {  	s13 =	simm.s32 $0xA800;
	s14 =	simm.s32 $0xB000;
	s15 =	simm.s32 $0xB800  }
0x5: {  	s16 =	simm.s32 $0xC000;
	s17 =	simm.s32 $0xC800;
	[smem:$0x7FF] =	sst s2  }
0x6: {  	s18 =	simm.s32 $0xD000;
	_ =	strace $0x80000047;
	[dreg:$0x4] =	wrdreg s11  }
0x7: {  	s19 =	simm.s32 $0xD800;
	s21 =	simm.s32 $0xE000;
	[dreg:$0x5] =	wrdreg s12  }
0x8: {  	s22 =	simm.s32 $0xE800;
	s23 =	simm.s32 $0xF000;
	[dreg:$0x6] =	wrdreg s13  }
0x9: {  	s25 =	simm.s32 $0xF800;
	s26 =	simm.s32 $0x10000;
	[dreg:$0x7] =	wrdreg s14  }
0xa: {  	s29 =	simm.s32 $0x9000;
	s30 =	simm.s32 $0x1;
	[dreg:$0x8] =	wrdreg s15  }
0xb: {  	s31 =	simm.s32 $0x200;
	s4 =	sshll.u32 s8, $0x12;
	[dreg:$0x9] =	wrdreg s16  }
0xc: {  	s5 =	sand.u32 $0x1, s3;
	s3 =	sadd.s32 $0x400, s1;
	[dreg:$0xa] =	wrdreg s17  }
0xd: {  	s8 =	sshll.u32 s8, $0xA;
	s6 =	sadd.s32 s4, s1;
	[dreg:$0xb] =	wrdreg s18  }
0xe: {  	s28 =	ssub.s32 $0x2, s5;
	s9 =	sshll.u32 s5, $0x9;
	[dreg:$0xc] =	wrdreg s19  }
0xf: {  	s11 =	sadd.s32 $0x1200, s1;
	s12 =	sadd.s32 $0x1400, s1;
	[dreg:$0xd] =	wrdreg s21  }
0x10: {  	s13 =	sadd.s32 $0x1600, s1;
	s14 =	sadd.s32 $0x1800, s1;
	[dreg:$0xe] =	wrdreg s22  }
0x11: {  	s15 =	sadd.s32 $0x1A00, s1;
	s16 =	sadd.s32 $0x1C00, s1;
	[dreg:$0xf] =	wrdreg s23  }
0x12: {  	s17 =	sadd.s32 $0x1E00, s1;
	s18 =	sadd.s32 $0x2000, s1;
	[dreg:$0x10] =	wrdreg s25  }
0x13: {  	s19 =	sadd.s32 $0x2200, s1;
	s22 =	simm.s32 $0x1000;
	[dreg:$0x11] =	wrdreg s26  }
0x14: {  	s23 =	simm.s32 $0x3;
	s25 =	simm.s32 $0x0;
	s7 =	sshrl.u32 s28, $0x1  }
0x15: {  	s8 =	sor.u32 s9, s8;
	s9 =	sshll.u32 s5, $0x11;
	s5 =	sadd.s32 $0x600, s1  }
0x16: {  	s20 =	ssub.s32 s28, s7;
	s0 =	sadd.s32 s0, s8;
	s10 =	sadd.s32 s9, s6  }
0x17: {  	s6 =	sadd.s32 $0x800, s1;
	s7 =	sadd.s32 $0xA00, s1;
	s8 =	sadd.s32 $0xC00, s1  }
0x18: {  	s9 =	sadd.s32 $0xE00, s1;
	s28 =	simm.s32 $0x10800;
	[dreg:$0x13] =	wrdreg s0  }
0x19: {  	v0 =	vlaneseq.u32;
	s0 =	sadd.s32 $0x800400, s10;
	s10 =	sadd.s32 $0x1000, s1;
	[dreg:$0x12] =	wrdreg s28  }
0x1a: {  	v1 =	vshrl.u32 v0, $0x2;
	s24 =	smax.u32 s20, $0x1;
	s1 =	simm.s32 $0x2;
	[dreg:$0x3] =	wrdreg s0  }
0x1b: {  	vm0 =	vmmov $0xffff;
	v0 =	vand.u32 $0x3, v0;
	v1 =	vmul.u32 $0x8, v1;
	[dreg:$0x14] =	wrdreg s24;
	s0 =	simm.s32 $0x400;
	s24 =	simm.s32 $0x4  }
.LBB2_1:
0x1c: {  	s4 =	rddreg [dreg:$0x13];
	s26 =	simm.s32 $0x5  }
0x1d: {  	[tilespmem:s2], [sflag:$0x5] =	stream.linear.gather [hbm4b:s4+s2], $0x1000, $0x38;
	[tilespmem:$0x11000] =	vst v63  }
0x1e: {  	_ =	swait.ge [sflag:s26], $0x1000  }
0x1f: {  	[sflag:s26] =	ssyncset.done $0x0  }
0x20: {  	[sflag:s26] =	ssyncadd.s32 $0xFFFFF000  }
0x21: {  	v2 =	vld.msk [tilespmem:$0x0], $0xf;
	_ =	sdelay $0x4  }
0x22: {  	v3 =	vshll.u32 v2, $0x6  }
0x23: {  	v2 =	vand.u32 $0x7, v2;
	v3 =	vand.u32 $0xFFFFFE00, v3  }
0x24: {  	v2 =	vor.u32 v2, v3  }
0x25: {  	v2 =	vperm.xlane v2, v0;
	_ =	sdelay $0x1  }
0x26: {  	v2 =	vadd.s32 v1, v2;
	_ =	sdelay $0x4  }
0x27: {  	[tilespmem:s22], [sflag:$0x1] =	stream.indirect_vreg.gather [hbm4b:s3+s2], $0x80, v2, vm0, $0xb8;
	[tilespmem:$0x11000] =	vst v63  }
0x28: {  	s20 =	simm.s32 $0x1800  }
0x29: {  	[tilespmem:s20], [sflag:$0x1] =	stream.indirect_vreg.gather [hbm4b:s5+s2], $0x80, v2, vm0, $0xb8;
	[tilespmem:$0x11000] =	vst v63  }
0x2a: {  	s21 =	simm.s32 $0x2000  }
0x2b: {  	[tilespmem:s21], [sflag:$0x1] =	stream.indirect_vreg.gather [hbm4b:s6+s2], $0x80, v2, vm0, $0xb8;
	[tilespmem:$0x11000] =	vst v63  }
0x2c: {  	s26 =	simm.s32 $0x2800  }
0x2d: {  	[tilespmem:s26], [sflag:$0x1] =	stream.indirect_vreg.gather [hbm4b:s7+s2], $0x80, v2, vm0, $0xb8;
	[tilespmem:$0x11000] =	vst v63  }
0x2e: {  	s20 =	simm.s32 $0x3000  }
0x2f: {  	[tilespmem:s20], [sflag:$0x1] =	stream.indirect_vreg.gather [hbm4b:s8+s2], $0x80, v2, vm0, $0xb8;
	[tilespmem:$0x11000] =	vst v63  }
0x30: {  	s21 =	simm.s32 $0x3800  }
0x31: {  	[tilespmem:s21], [sflag:$0x1] =	stream.indirect_vreg.gather [hbm4b:s9+s2], $0x80, v2, vm0, $0xb8;
	[tilespmem:$0x11000] =	vst v63  }
0x32: {  	s26 =	simm.s32 $0x4000  }
0x33: {  	[tilespmem:s26], [sflag:$0x1] =	stream.indirect_vreg.gather [hbm4b:s10+s2], $0x80, v2, vm0, $0xb8;
	[tilespmem:$0x11000] =	vst v63  }
0x34: {  	s20 =	simm.s32 $0x4800  }
0x35: {  	[tilespmem:s20], [sflag:$0x1] =	stream.indirect_vreg.gather [hbm4b:s11+s2], $0x80, v2, vm0, $0xb8;
	[tilespmem:$0x11000] =	vst v63  }
0x36: {  	s21 =	simm.s32 $0x5000  }
0x37: {  	[tilespmem:s21], [sflag:$0x1] =	stream.indirect_vreg.gather [hbm4b:s12+s2], $0x80, v2, vm0, $0xb8;
	[tilespmem:$0x11000] =	vst v63  }
0x38: {  	s26 =	simm.s32 $0x5800  }
0x39: {  	[tilespmem:s26], [sflag:$0x1] =	stream.indirect_vreg.gather [hbm4b:s13+s2], $0x80, v2, vm0, $0xb8;
	[tilespmem:$0x11000] =	vst v63  }
0x3a: {  	s20 =	simm.s32 $0x6000  }
0x3b: {  	[tilespmem:s20], [sflag:$0x1] =	stream.indirect_vreg.gather [hbm4b:s14+s2], $0x80, v2, vm0, $0xb8;
	[tilespmem:$0x11000] =	vst v63  }
0x3c: {  	s21 =	simm.s32 $0x6800  }
0x3d: {  	[tilespmem:s21], [sflag:$0x1] =	stream.indirect_vreg.gather [hbm4b:s15+s2], $0x80, v2, vm0, $0xb8;
	[tilespmem:$0x11000] =	vst v63  }
0x3e: {  	s26 =	simm.s32 $0x7000  }
0x3f: {  	[tilespmem:s26], [sflag:$0x1] =	stream.indirect_vreg.gather [hbm4b:s16+s2], $0x80, v2, vm0, $0xb8;
	[tilespmem:$0x11000] =	vst v63  }
0x40: {  	s20 =	simm.s32 $0x7800  }
0x41: {  	[tilespmem:s20], [sflag:$0x1] =	stream.indirect_vreg.gather [hbm4b:s17+s2], $0x80, v2, vm0, $0xb8;
	[tilespmem:$0x11000] =	vst v63  }
0x42: {  	s21 =	simm.s32 $0x8000  }
0x43: {  	[tilespmem:s21], [sflag:$0x1] =	stream.indirect_vreg.gather [hbm4b:s18+s2], $0x80, v2, vm0, $0xb8;
	[tilespmem:$0x11000] =	vst v63  }
0x44: {  	s26 =	simm.s32 $0x8800  }
0x45: {  	[tilespmem:s26], [sflag:$0x1] =	stream.indirect_vreg.gather [hbm4b:s19+s2], $0x80, v2, vm0, $0xb8;
	[tilespmem:$0x11000] =	vst v63  }
0x46: {  	s28 =	simm.s32 $0x0;
	s26 =	simm.s32 $0x100  }
.LBB2_2:
0x47: {  	p0 =	seq.s32 s28, $0x0  }
0x48: {  	s4 =	simm.s32 @!p0 $0x4  }
0x49: {  	_ =	swait.ge @!p0 [sflag:s4], $0x8000  }
0x4a: {  	[sflag:s4] =	ssyncset.done @!p0 $0x0  }
0x4b: {  	[sflag:s4] =	ssyncadd.s32 @!p0 $0xFFFF8000  }
0x4c: {  	v2 =	vld.msk [tilespmem:s26+$0xFFFFFF80], $0xf;
	_ =	sdelay $0x4  }
0x4d: {  	v3 =	vshll.u32 v2, $0x6  }
0x4e: {  	v2 =	vand.u32 $0x7, v2;
	v3 =	vand.u32 $0xFFFFFE00, v3  }
0x4f: {  	v2 =	vor.u32 v2, v3  }
0x50: {  	v2 =	vperm.xlane v2, v0;
	_ =	sdelay $0x1  }
0x51: {  	v2 =	vadd.s32 v1, v2;
	_ =	sdelay $0x4  }
0x52: {  	[tilespmem:s29], [sflag:$0x2] =	stream.indirect_vreg.gather [hbm4b:s3+s2], $0x80, v2, vm0, $0xb8;
	[tilespmem:$0x11000] =	vst v63  }
0x53: {  	s21 =	rddreg [dreg:$0x4]  }
0x54: {  	[tilespmem:s21], [sflag:$0x2] =	stream.indirect_vreg.gather [hbm4b:s5+s2], $0x80, v2, vm0, $0xb8;
	[tilespmem:$0x11000] =	vst v63  }
0x55: {  	s20 =	rddreg [dreg:$0x5]  }
0x56: {  	[tilespmem:s20], [sflag:$0x2] =	stream.indirect_vreg.gather [hbm4b:s6+s2], $0x80, v2, vm0, $0xb8;
	[tilespmem:$0x11000] =	vst v63  }
0x57: {  	s21 =	rddreg [dreg:$0x6]  }
0x58: {  	[tilespmem:s21], [sflag:$0x2] =	stream.indirect_vreg.gather [hbm4b:s7+s2], $0x80, v2, vm0, $0xb8;
	[tilespmem:$0x11000] =	vst v63  }
0x59: {  	s20 =	rddreg [dreg:$0x7]  }
0x5a: {  	[tilespmem:s20], [sflag:$0x2] =	stream.indirect_vreg.gather [hbm4b:s8+s2], $0x80, v2, vm0, $0xb8;
	[tilespmem:$0x11000] =	vst v63  }
0x5b: {  	s21 =	rddreg [dreg:$0x8]  }
0x5c: {  	[tilespmem:s21], [sflag:$0x2] =	stream.indirect_vreg.gather [hbm4b:s9+s2], $0x80, v2, vm0, $0xb8;
	[tilespmem:$0x11000] =	vst v63  }
0x5d: {  	s20 =	rddreg [dreg:$0x9]  }
0x5e: {  	[tilespmem:s20], [sflag:$0x2] =	stream.indirect_vreg.gather [hbm4b:s10+s2], $0x80, v2, vm0, $0xb8;
	[tilespmem:$0x11000] =	vst v63  }
0x5f: {  	s21 =	rddreg [dreg:$0xa]  }
0x60: {  	[tilespmem:s21], [sflag:$0x2] =	stream.indirect_vreg.gather [hbm4b:s11+s2], $0x80, v2, vm0, $0xb8;
	[tilespmem:$0x11000] =	vst v63  }
0x61: {  	s20 =	rddreg [dreg:$0xb]  }
0x62: {  	[tilespmem:s20], [sflag:$0x2] =	stream.indirect_vreg.gather [hbm4b:s12+s2], $0x80, v2, vm0, $0xb8;
	[tilespmem:$0x11000] =	vst v63  }
0x63: {  	s21 =	rddreg [dreg:$0xc]  }
0x64: {  	[tilespmem:s21], [sflag:$0x2] =	stream.indirect_vreg.gather [hbm4b:s13+s2], $0x80, v2, vm0, $0xb8;
	[tilespmem:$0x11000] =	vst v63  }
0x65: {  	s20 =	rddreg [dreg:$0xd]  }
0x66: {  	[tilespmem:s20], [sflag:$0x2] =	stream.indirect_vreg.gather [hbm4b:s14+s2], $0x80, v2, vm0, $0xb8;
	[tilespmem:$0x11000] =	vst v63  }
0x67: {  	s21 =	rddreg [dreg:$0xe]  }
0x68: {  	[tilespmem:s21], [sflag:$0x2] =	stream.indirect_vreg.gather [hbm4b:s15+s2], $0x80, v2, vm0, $0xb8;
	[tilespmem:$0x11000] =	vst v63  }
0x69: {  	s20 =	rddreg [dreg:$0xf]  }
0x6a: {  	[tilespmem:s20], [sflag:$0x2] =	stream.indirect_vreg.gather [hbm4b:s16+s2], $0x80, v2, vm0, $0xb8;
	[tilespmem:$0x11000] =	vst v63  }
0x6b: {  	s21 =	rddreg [dreg:$0x10]  }
0x6c: {  	[tilespmem:s21], [sflag:$0x2] =	stream.indirect_vreg.gather [hbm4b:s17+s2], $0x80, v2, vm0, $0xb8;
	[tilespmem:$0x11000] =	vst v63  }
0x6d: {  	s20 =	rddreg [dreg:$0x11]  }
0x6e: {  	[tilespmem:s20], [sflag:$0x2] =	stream.indirect_vreg.gather [hbm4b:s18+s2], $0x80, v2, vm0, $0xb8;
	[tilespmem:$0x11000] =	vst v63  }
0x6f: {  	s21 =	rddreg [dreg:$0x12]  }
0x70: {  	[tilespmem:s21], [sflag:$0x2] =	stream.indirect_vreg.gather [hbm4b:s19+s2], $0x80, v2, vm0, $0xb8;
	[tilespmem:$0x11000] =	vst v63  }
0x71: {  	_ =	swait.ge [sflag:s30], $0x8000  }
0x72: {  	p0 =	seq.s32 s28, $0x1E000;
	s21 =	rddreg [dreg:$0x3];
	[sflag:s30] =	ssyncset.done $0x0  }
0x73: {  	s20 =	simm.s32 @!p0 $0x3;
	[sflag:s30] =	ssyncadd.s32 $0xFFFF8000;
	s4 =	sadd.s32 s28, s21  }
0x74: {  	[hbm4b:s4+s31] =	stream.strided.scatter [tilespmem:s22], [sflag:$0x3], $0x8000, s0, s31, $0x38;
	[tilespmem:$0x11000] =	vst v63  }
0x75: {  	_ =	swait.ge @!p0 [sflag:s20], $0x8000  }
0x76: {  	[sflag:s20] =	ssyncset.done @!p0 $0x0  }
0x77: {  	[sflag:s20] =	ssyncadd.s32 @!p0 $0xFFFF8000  }
0x78: {  	v2 =	vld.msk @!p0 [tilespmem:s26+$0x0], $0xf;
	_ =	sdelay $0x4  }
0x79: {  	v3 =	vshll.u32 @!p0 v2, $0x6  }
0x7a: {  	v4 =	vlaneseq.u32 @!p0;
	v2 =	vand.u32 @!p0 $0x7, v2;
	v3 =	vand.u32 @!p0 $0xFFFFFE00, v3  }
0x7b: {  	v2 =	vor.u32 @!p0 v2, v3;
	v3 =	vand.u32 @!p0 $0x3, v4;
	v4 =	vshrl.u32 @!p0 v4, $0x2  }
0x7c: {  	v2 =	vperm.xlane @!p0 v2, v3;
	v3 =	vmul.u32 @!p0 $0x8, v4;
	_ =	sdelay $0x1  }
0x7d: {  	v2 =	vadd.s32 @!p0 v3, v2;
	_ =	sdelay $0x3  }
0x7e: {  	vm1 =	vmmov @!p0 $0xffff;
	s21 =	simm.s32 @!p0 $0x1000;
	s20 =	simm.s32 @!p0 $0x0  }
0x7f: {  	[tilespmem:s21], [sflag:$0x1] =	stream.indirect_vreg.gather @!p0 [hbm4b:s3+s20], $0x80, v2, vm1, $0xb8;
	[tilespmem:$0x11000] =	vst v63  }
0x80: {  	s21 =	simm.s32 @!p0 $0x1800  }
0x81: {  	[tilespmem:s21], [sflag:$0x1] =	stream.indirect_vreg.gather @!p0 [hbm4b:s5+s20], $0x80, v2, vm1, $0xb8;
	[tilespmem:$0x11000] =	vst v63  }
0x82: {  	s21 =	simm.s32 @!p0 $0x2000  }
0x83: {  	[tilespmem:s21], [sflag:$0x1] =	stream.indirect_vreg.gather @!p0 [hbm4b:s6+s20], $0x80, v2, vm1, $0xb8;
	[tilespmem:$0x11000] =	vst v63  }
0x84: {  	s21 =	simm.s32 @!p0 $0x2800  }
0x85: {  	[tilespmem:s21], [sflag:$0x1] =	stream.indirect_vreg.gather @!p0 [hbm4b:s7+s20], $0x80, v2, vm1, $0xb8;
	[tilespmem:$0x11000] =	vst v63  }
0x86: {  	s21 =	simm.s32 @!p0 $0x3000  }
0x87: {  	[tilespmem:s21], [sflag:$0x1] =	stream.indirect_vreg.gather @!p0 [hbm4b:s8+s20], $0x80, v2, vm1, $0xb8;
	[tilespmem:$0x11000] =	vst v63  }
0x88: {  	s21 =	simm.s32 @!p0 $0x3800  }
0x89: {  	[tilespmem:s21], [sflag:$0x1] =	stream.indirect_vreg.gather @!p0 [hbm4b:s9+s20], $0x80, v2, vm1, $0xb8;
	[tilespmem:$0x11000] =	vst v63  }
0x8a: {  	s21 =	simm.s32 @!p0 $0x4000  }
0x8b: {  	[tilespmem:s21], [sflag:$0x1] =	stream.indirect_vreg.gather @!p0 [hbm4b:s10+s20], $0x80, v2, vm1, $0xb8;
	[tilespmem:$0x11000] =	vst v63  }
0x8c: {  	s21 =	simm.s32 @!p0 $0x4800  }
0x8d: {  	[tilespmem:s21], [sflag:$0x1] =	stream.indirect_vreg.gather @!p0 [hbm4b:s11+s20], $0x80, v2, vm1, $0xb8;
	[tilespmem:$0x11000] =	vst v63  }
0x8e: {  	s21 =	simm.s32 @!p0 $0x5000  }
0x8f: {  	[tilespmem:s21], [sflag:$0x1] =	stream.indirect_vreg.gather @!p0 [hbm4b:s12+s20], $0x80, v2, vm1, $0xb8;
	[tilespmem:$0x11000] =	vst v63  }
0x90: {  	s21 =	simm.s32 @!p0 $0x5800  }
0x91: {  	[tilespmem:s21], [sflag:$0x1] =	stream.indirect_vreg.gather @!p0 [hbm4b:s13+s20], $0x80, v2, vm1, $0xb8;
	[tilespmem:$0x11000] =	vst v63  }
0x92: {  	s21 =	simm.s32 @!p0 $0x6000  }
0x93: {  	[tilespmem:s21], [sflag:$0x1] =	stream.indirect_vreg.gather @!p0 [hbm4b:s14+s20], $0x80, v2, vm1, $0xb8;
	[tilespmem:$0x11000] =	vst v63  }
0x94: {  	s21 =	simm.s32 @!p0 $0x6800  }
0x95: {  	[tilespmem:s21], [sflag:$0x1] =	stream.indirect_vreg.gather @!p0 [hbm4b:s15+s20], $0x80, v2, vm1, $0xb8;
	[tilespmem:$0x11000] =	vst v63  }
0x96: {  	s21 =	simm.s32 @!p0 $0x7000  }
0x97: {  	[tilespmem:s21], [sflag:$0x1] =	stream.indirect_vreg.gather @!p0 [hbm4b:s16+s20], $0x80, v2, vm1, $0xb8;
	[tilespmem:$0x11000] =	vst v63  }
0x98: {  	s21 =	simm.s32 @!p0 $0x7800  }
0x99: {  	[tilespmem:s21], [sflag:$0x1] =	stream.indirect_vreg.gather @!p0 [hbm4b:s17+s20], $0x80, v2, vm1, $0xb8;
	[tilespmem:$0x11000] =	vst v63  }
0x9a: {  	s21 =	simm.s32 @!p0 $0x8000  }
0x9b: {  	[tilespmem:s21], [sflag:$0x1] =	stream.indirect_vreg.gather @!p0 [hbm4b:s18+s20], $0x80, v2, vm1, $0xb8;
	[tilespmem:$0x11000] =	vst v63  }
0x9c: {  	s28 =	sadd.s32 $0x2000, s28;
	s21 =	simm.s32 @!p0 $0x8800  }
0x9d: {  	[tilespmem:s21], [sflag:$0x1] =	stream.indirect_vreg.gather @!p0 [hbm4b:s19+s20], $0x80, v2, vm1, $0xb8;
	[tilespmem:$0x11000] =	vst v63  }
0x9e: {  	p0 =	sne.s32 s28, $0x20000  }
.Ltmp0:
0x9f: {  	_ = 	snop;
	(pc) =	sbr.rel @p0 .LBB2_2-.Ltmp0, $4  }
0xa0: {  	_ =	swait.ge [sflag:s1], $0x8000  }
0xa1: {  	[sflag:s1] =	ssyncset.done $0x0  }
0xa2: {  	s4 =	sadd.s32 $0x40, s4;
	s26 =	sadd.s32 $0x100, s26;
	[sflag:s1] =	ssyncadd.s32 $0xFFFF8000  }
0xa3: {  	[hbm4b:s4+s31] =	stream.strided.scatter [tilespmem:s29], [sflag:$0x4], $0x8000, s0, s31, $0x38;
	[tilespmem:$0x11000] =	vst v63  }
0xa4: {  	_ =	swait.ge [sflag:s23], $0x8000  }
0xa5: {  	[sflag:s23] =	ssyncset.done $0x0  }
0xa6: {  	[sflag:s23] =	ssyncadd.s32 $0xFFFF8000  }
0xa7: {  	_ =	swait.ge [sflag:s24], $0x8000  }
0xa8: {  	s25 =	sadd.s32 $0x1, s25;
	s4 =	rddreg [dreg:$0x14]  }
0xa9: {  	p0 =	sne.s32 s25, s4  }
.Ltmp1:
0xaa: {  	_ = 	snop;
	(pc) =	sbr.rel @p0 .LBB2_1-.Ltmp1, $3  }
0xab: {  	_ =	sdelay $0x1  }
0xac: {  	[sflag:s24] =	ssyncset.done $0x0  }
0xad: {  	[sflag:s24] =	ssyncadd.s32 $0xFFFF8000  }
0xae: {  	_ =	sfence.sel $0x180000  }
0xaf: {  	[bflag:$0x0] =	sbarrier.arrive $0xFFFF  }
0xb0: {  	_ =	strace $0x90000047  }
0xb1: {  	s0 =	stileid.u32;
	[bflag:$0x2] =	sbarrier.arrive $0xFFFF  }
0xb2: {  	p0 =	sne.s32 s0, $0x0;
	s0 =	rddreg [dreg:$0x2]  }
0xb3: {  	s0 =	sadd.s32 @!p0 $0x100000, s0  }
0xb4: {  	[sflag:s0] =	ssyncadd.tile.s32 @!p0 $0x1;
	_ =	shalt  }
.Lfunc_end2:
_tile_overlayer_lowered:
.L_overlay_start_2:
0xb5: {  	(tag) =	ssettag $0x2  }
0xb6: {  	s0 =	rddreg [dreg:$0x0];
	s2 =	stileid.u32  }
0xb7: {  	s1 =	rddreg [dreg:$0x1];
	p0 =	sne.s32 s2, $0x0  }
0xb8: {  	s3 =	rddreg [dreg:$0x2];
	[bflag:$0x3] =	sbarrier.arrive $0xFFFF;
	s2 =	simm.s32 @!p0 $0x1C05  }
0xb9: {  	[timem:s3], [sflag:s2] =	dma.local @!p0 [hbm:s0], s1  }
0xba: {  	s0 =	simm.s32 @!p0 $0x5  }
0xbb: {  	_ =	swait.ge @!p0 [sflag:s0], s1  }
0xbc: {  	s1 =	ssub.s32 @!p0 $0x0, s1;
	[sflag:s0] =	ssyncset.done @!p0 $0x0  }
0xbd: {  	[sflag:s0] =	ssyncadd.s32 @!p0 s1  }
0xbe: {  	[bflag:$0x3] =	sbarrier.arrive $0xFFFF  }
0xbf: {  	_ =	shalt  }

</sc_bundles>
